<compile_context>
chip_gen: v7x
topology: tpu7x:2x2x1
jax: 0.10.2.dev20260603
libtpu: 0.0.44.dev20260713+nightly
codegen_flags: <defaults>
</compile_context>

<pallas_src>
import functools

import jax
import jax.numpy as jnp
import numpy as np
from jax import lax
from jax.experimental import pallas as pl
from jax.experimental.pallas import tpu as pltpu
from jax.experimental.pallas import tpu_sc as plsc

NC = 2
NS = 16
LANES = 16
CHUNK = 128
ZROWS = 400
OTILES = 5


def _interleave_perm(dim):
    p = np.empty((dim,), np.int32)
    for j in range(dim // 32):
        for k in range(16):
            p[32 * j + k] = 32 * j + 2 * k
            p[32 * j + 16 + k] = 32 * j + 2 * k + 1
    return p


def _dense_bias_kernel(x_ref, w_ref, b_ref, o_ref):
    o_ref[...] = (
        jnp.dot(x_ref[...], w_ref[...], preferred_element_type=jnp.float32)
        + b_ref[...]
    )


def _edge_feat_kernel(attr_ref, m_ref, c_ref, g_ref, w1_ref, b1_ref, w2_ref,
                      b2_ref, o_ref):
    t = attr_ref[...]
    g = g_ref[0, 0]
    d = c_ref[...] - t
    a = jnp.exp(-g * d * d)
    z = jnp.dot(a, w1_ref[...], preferred_element_type=jnp.float32) + b1_ref[...]
    z = z * jax.nn.sigmoid(z)
    z = jnp.dot(z, w2_ref[...], preferred_element_type=jnp.float32) + b2_ref[...]
    o_ref[...] = z * jax.nn.sigmoid(z) * m_ref[...]


def _final_kernel(x_ref, agg_ref, w2_ref, b2_ref, w3_ref, b3_ref, o_ref):
    agg = (agg_ref[0].astype(jnp.float32) + agg_ref[1].astype(jnp.float32))
    z = jnp.dot(agg, w2_ref[...], preferred_element_type=jnp.float32) + b2_ref[...]
    z = z * jax.nn.sigmoid(z)
    o_ref[...] = (
        x_ref[...]
        + jnp.dot(z, w3_ref[...], preferred_element_type=jnp.float32)
        + b3_ref[...]
    )


def _make_sc_scatter(n_nodes, dim, cpt):
    mesh = plsc.VectorSubcoreMesh(core_axis_name="c", subcore_axis_name="s")
    zsegs = n_nodes // (OTILES * ZROWS)
    orows = n_nodes // OTILES

    @functools.partial(
        pl.kernel,
        out_type=jax.ShapeDtypeStruct((NC, n_nodes, dim), jnp.bfloat16),
        mesh=mesh,
        scratch_types=[
            pltpu.VMEM((cpt, CHUNK), jnp.int32),
            pltpu.VMEM((cpt, CHUNK), jnp.int32),
            pltpu.VMEM((CHUNK, dim), jnp.float32),
            pltpu.VMEM((CHUNK, dim), jnp.float32),
            pltpu.VMEM((CHUNK, dim), jnp.bfloat16),
            pltpu.VMEM_SHARED((n_nodes, dim), jnp.bfloat16),
            pltpu.SemaphoreType.DMA,
        ],
        compiler_params=pltpu.CompilerParams(needs_layout_passes=False,
                                             use_tc_tiling_on_sc=False),
    )
    def sc_kernel(h_hbm, a_hbm, src_hbm, dst_hbm, z_hbm, out_hbm,
                  src_v, dst_v, a_v, hj_v, mb_v, agg_sh, sem):
        cid = lax.axis_index("c")
        sid = lax.axis_index("s")
        tile = cid * NS + sid

        @pl.when(sid < OTILES)
        def _():
            def zb(j, c):
                pltpu.sync_copy(
                    z_hbm, agg_sh.at[pl.ds(sid * orows + j * ZROWS, ZROWS)])
                return c
            lax.fori_loop(0, zsegs, zb, 0)

        pltpu.sync_copy(src_hbm.at[pl.ds(tile * cpt, cpt)], src_v)
        pltpu.sync_copy(dst_hbm.at[pl.ds(tile * cpt, cpt)], dst_v)
        plsc.subcore_barrier()

        def chunk_body(k, carry):
            pltpu.async_copy(h_hbm.at[src_v.at[k]], hj_v, sem).wait()
            pltpu.sync_copy(
                a_hbm.at[pl.ds((tile * cpt + k) * CHUNK, CHUNK)], a_v)

            def row_body(i, c2):
                for j in range(dim // 32):
                    s0 = pl.ds(32 * j, LANES)
                    s1 = pl.ds(32 * j + LANES, LANES)
                    m0 = hj_v[i, s0] * a_v[i, s0]
                    m1 = hj_v[i, s1] * a_v[i, s1]
                    mb_v[i, pl.ds(32 * j, 32)] = plsc.pack(
                        m0, m1, format=plsc.PackFormat.INTERLEAVED)
                return c2

            lax.fori_loop(0, CHUNK, row_body, 0)
            pltpu.sync_copy(mb_v, agg_sh.at[dst_v.at[k]], add=True)
            return carry

        lax.fori_loop(0, cpt, chunk_body, 0)
        plsc.subcore_barrier()

        @pl.when(sid < OTILES)
        def _():
            pltpu.sync_copy(
                agg_sh.at[pl.ds(sid * orows, orows)],
                out_hbm.at[cid, pl.ds(sid * orows, orows)],
            )

    return sc_kernel


def kernel(x, edge_attr, edge_index, ef_W1, ef_b1, ef_W2, ef_b2,
           aw1_W, aw1_b, aw2_W, aw2_b, aw3_W, aw3_b, centers, gamma):
    n, dim = x.shape
    e = edge_index.shape[1]
    n_rbf = centers.shape[0]

    nw = NC * NS
    cpt = -(-e // (nw * CHUNK))
    cpt = -(-cpt // 8) * 8
    e_pad = nw * CHUNK * cpt
    pad = e_pad - e

    perm = _interleave_perm(dim)

    ei = edge_index.astype(jnp.int32)
    src2 = jnp.concatenate([ei[0], jnp.zeros((pad,), jnp.int32)]).reshape(
        e_pad // CHUNK, CHUNK)
    dst2 = jnp.concatenate([ei[1], jnp.zeros((pad,), jnp.int32)]).reshape(
        e_pad // CHUNK, CHUNK)
    attr_pad = jnp.concatenate(
        [edge_attr.astype(jnp.float32), jnp.zeros((pad, 1), jnp.float32)])
    mask = jnp.concatenate(
        [jnp.ones((e, 1), jnp.float32), jnp.zeros((pad, 1), jnp.float32)])
    zeros_blk = jnp.zeros((ZROWS, dim), jnp.bfloat16)

    rb = 1000
    h = pl.pallas_call(
        _dense_bias_kernel,
        grid=(n // rb,),
        in_specs=[
            pl.BlockSpec((rb, dim), lambda i: (i, 0)),
            pl.BlockSpec((dim, dim), lambda i: (0, 0)),
            pl.BlockSpec((1, dim), lambda i: (0, 0)),
        ],
        out_specs=pl.BlockSpec((rb, dim), lambda i: (i, 0)),
        out_shape=jax.ShapeDtypeStruct((n, dim), jnp.float32),
    )(x, aw1_W.T[:, perm], aw1_b[perm].reshape(1, dim))

    blk = 2048
    assert e_pad % blk == 0
    a_feat = pl.pallas_call(
        _edge_feat_kernel,
        grid=(e_pad // blk,),
        in_specs=[
            pl.BlockSpec((blk, 1), lambda i: (i, 0)),
            pl.BlockSpec((blk, 1), lambda i: (i, 0)),
            pl.BlockSpec((1, n_rbf), lambda i: (0, 0)),
            pl.BlockSpec(memory_space=pltpu.SMEM),
            pl.BlockSpec((n_rbf, dim), lambda i: (0, 0)),
            pl.BlockSpec((1, dim), lambda i: (0, 0)),
            pl.BlockSpec((dim, dim), lambda i: (0, 0)),
            pl.BlockSpec((1, dim), lambda i: (0, 0)),
        ],
        out_specs=pl.BlockSpec((blk, dim), lambda i: (i, 0)),
        out_shape=jax.ShapeDtypeStruct((e_pad, dim), jnp.float32),
    )(attr_pad, mask, centers.reshape(1, n_rbf),
      jnp.asarray(gamma, jnp.float32).reshape(1, 1),
      ef_W1.T, ef_b1.reshape(1, dim), ef_W2.T[:, perm],
      ef_b2[perm].reshape(1, dim))

    agg2 = _make_sc_scatter(n, dim, cpt)(h, a_feat, src2, dst2, zeros_blk)

    out = pl.pallas_call(
        _final_kernel,
        grid=(n // rb,),
        in_specs=[
            pl.BlockSpec((rb, dim), lambda i: (i, 0)),
            pl.BlockSpec((NC, rb, dim), lambda i: (0, i, 0)),
            pl.BlockSpec((dim, dim), lambda i: (0, 0)),
            pl.BlockSpec((1, dim), lambda i: (0, 0)),
            pl.BlockSpec((dim, dim), lambda i: (0, 0)),
            pl.BlockSpec((1, dim), lambda i: (0, 0)),
        ],
        out_specs=pl.BlockSpec((rb, dim), lambda i: (i, 0)),
        out_shape=jax.ShapeDtypeStruct((n, dim), jnp.float32),
    )(x, agg2, aw2_W.T, aw2_b.reshape(1, dim), aw3_W.T, aw3_b.reshape(1, dim))

    return out

# --- scband reference (transcript-rebuilt; emitter-appended) ---
"""Pipeline reference for scband-interaction-3195455668255 (READ-ONLY COPY).

The authoritative reference and input builder live on the scoring server;
editing this copy changes nothing except your own understanding.
"""

import jax, jax.numpy as jnp
import numpy as np

N_NODES = 10000
N_EDGES = 320000
N_RBF = 64
DIM = 128


def setup_inputs(seed: int = 0) -> dict:
    key = jax.random.key(seed)
    ks = jax.random.split(key, 16)
    x = jax.random.normal(ks[0], (N_NODES, DIM), dtype=jnp.float32)
    edge_attr = jax.random.uniform(ks[1], (N_EDGES, 1), dtype=jnp.float32)
    edge_index = jax.random.randint(ks[2], (2, N_EDGES), 0, N_NODES, dtype=jnp.int64)
    sc = 1.0 / np.sqrt(DIM)
    sc_rbf = 1.0 / np.sqrt(N_RBF)
    ef_W1 = jax.random.uniform(ks[3], (DIM, N_RBF), jnp.float32, -sc_rbf, sc_rbf)
    ef_b1 = jax.random.uniform(ks[4], (DIM,), jnp.float32, -sc_rbf, sc_rbf)
    ef_W2 = jax.random.uniform(ks[5], (DIM, DIM), jnp.float32, -sc, sc)
    ef_b2 = jax.random.uniform(ks[6], (DIM,), jnp.float32, -sc, sc)
    aw1_W = jax.random.uniform(ks[7], (DIM, DIM), jnp.float32, -sc, sc)
    aw1_b = jax.random.uniform(ks[8], (DIM,), jnp.float32, -sc, sc)
    aw2_W = jax.random.uniform(ks[9], (DIM, DIM), jnp.float32, -sc, sc)
    aw2_b = jax.random.uniform(ks[10], (DIM,), jnp.float32, -sc, sc)
    aw3_W = jax.random.uniform(ks[11], (DIM, DIM), jnp.float32, -sc, sc)
    aw3_b = jax.random.uniform(ks[12], (DIM,), jnp.float32, -sc, sc)
    centers = jnp.linspace(0.0, 10.0, N_RBF).astype(jnp.float32)
    gamma = jnp.float32(10.0)
    return {"x": x, "edge_attr": edge_attr, "edge_index": edge_index,
            "ef_W1": ef_W1, "ef_b1": ef_b1, "ef_W2": ef_W2, "ef_b2": ef_b2,
            "aw1_W": aw1_W, "aw1_b": aw1_b, "aw2_W": aw2_W, "aw2_b": aw2_b,
            "aw3_W": aw3_W, "aw3_b": aw3_b, "centers": centers, "gamma": gamma}


def reference(x, edge_attr, edge_index, ef_W1, ef_b1, ef_W2, ef_b2,
              aw1_W, aw1_b, aw2_W, aw2_b, aw3_W, aw3_b, centers, gamma):
    # atomwise1
    h = x @ aw1_W.T + aw1_b
    # EdgeFeature: rbf expansion + 2 dense layers with silu
    center_dists = centers - edge_attr  # (E, n_rbf) via broadcast (attr_dim=1)
    a = jnp.exp(-gamma * center_dists ** 2)
    a = jax.nn.silu(a @ ef_W1.T + ef_b1)
    a = jax.nn.silu(a @ ef_W2.T + ef_b2)
    # CFConv message passing, aggr='add', flow source_to_target
    src = edge_index[0]
    dst = edge_index[1]
    msg = a * h[src]
    agg = jax.ops.segment_sum(msg, dst, num_segments=N_NODES)
    # atomwise2 + silu + atomwise3
    h2 = agg @ aw2_W.T + aw2_b
    h2 = jax.nn.silu(h2)
    h2 = h2 @ aw3_W.T + aw3_b
    return x + h2

if __name__ == "__main__":
    import jax
    _d = setup_inputs()
    print(jax.jit(kernel)(*tuple(_d.values())))

</pallas_src>

<mosaic_0001>
#map = affine_map<(d0, d1) -> (0, 0)>
#map1 = affine_map<(d0, d1) -> (0, 0, 0)>
module attributes {stable_mosaic.version = 14 : i64} {
  func.func @sc_kernel(%arg0: i32, %arg1: i32, %arg2: memref<10000x128xf32, #tpu.memory_space<hbm>>, %arg3: memref<327680x128xf32, #tpu.memory_space<hbm>>, %arg4: memref<2560x128xi32, #tpu.memory_space<hbm>>, %arg5: memref<2560x128xi32, #tpu.memory_space<hbm>>, %arg6: memref<400x128xbf16, #tpu.memory_space<hbm>>, %arg7: memref<2x10000x128xbf16, #tpu.memory_space<hbm>>, %arg8: memref<80x128xi32, #tpu.memory_space<vmem>>, %arg9: memref<80x128xi32, #tpu.memory_space<vmem>>, %arg10: memref<128x128xf32, #tpu.memory_space<vmem>>, %arg11: memref<128x128xf32, #tpu.memory_space<vmem>>, %arg12: memref<128x128xbf16, #tpu.memory_space<vmem>>, %arg13: memref<10000x128xbf16, #tpu.memory_space<vmem_shared>>, %arg14: memref<!tpu.dma_semaphore, #tpu.memory_space<semaphore_mem>>) attributes {dimension_semantics = [#tpu.dimension_semantics<core_parallel>, #tpu.dimension_semantics<subcore_parallel>], iteration_bounds = array<i64: 2, 16>, scalar_prefetch = 0 : i64, scratch_operands = 7 : i64, tpu.core_type = #tpu.core_type<sc_vector_subcore>, window_params = [{transform_indices = #map}, {transform_indices = #map}, {transform_indices = #map}, {transform_indices = #map}, {transform_indices = #map}, {transform_indices = #map1}]} {
    %mul3A = arith.constant 16 : i32
    %mul3A_0 = arith.muli %arg0, %mul3A : i32
    %add3A = arith.addi %mul3A_0, %arg1 : i32
    %lt3A = arith.constant 5 : i32
    %lt3A_1 = arith.cmpi slt, %arg1, %lt3A : i32
    %convert_element_type3A = arith.extui %lt3A_1 : i1 to i32
    %cond3A = arith.constant 0 : i32
    %cond3A_2 = arith.cmpi ne, %convert_element_type3A, %cond3A : i32
    scf.if %cond3A_2 {
      %scan3A_18 = arith.constant 0 : i32
      %scan3A_19 = arith.constant 0 : i32
      %scan3A_20 = arith.constant 5 : i32
      %scan3A_21 = arith.addi %scan3A_19, %scan3A_20 : i32
      %scan3A_22 = arith.constant 1 : i32
      scf.for %scan3A_24 = %scan3A_19 to %scan3A_21 step %scan3A_22  : i32 {
        %mul3A_25 = arith.constant 2000 : i32
        %mul3A_26 = arith.muli %arg1, %mul3A_25 : i32
        %mul3A_27 = arith.constant 400 : i32
        %mul3A_28 = arith.muli %scan3A_24, %mul3A_27 : i32
        %add3A_29 = arith.addi %mul3A_26, %mul3A_28 : i32
        "tpu.region"() ({
          %run_scoped3A = tpu.sem_alloc : memref<!tpu.dma_semaphore, #tpu.memory_space<semaphore_mem>>
          %dma_start3A = arith.constant 0 : i32
          %dma_start3A_30 = tpu.memref_slice %arg13[%add3A_29, %dma_start3A] : memref<10000x128xbf16, #tpu.memory_space<vmem_shared>> -> memref<400x128xbf16, #tpu.memory_space<vmem_shared>>
          tpu.enqueue_dma source(%arg6 : memref<400x128xbf16, #tpu.memory_space<hbm>>) target(%dma_start3A_30 : memref<400x128xbf16, #tpu.memory_space<vmem_shared>>) target_semaphore(%run_scoped3A : memref<!tpu.dma_semaphore, #tpu.memory_space<semaphore_mem>>)
          %dma_wait3A = arith.constant 0 : i32
          %dma_wait3A_31 = tpu.memref_slice %arg13[%add3A_29, %dma_wait3A] : memref<10000x128xbf16, #tpu.memory_space<vmem_shared>> -> memref<400x128xbf16, #tpu.memory_space<vmem_shared>>
          tpu.wait_dma2 semaphore(%run_scoped3A : memref<!tpu.dma_semaphore, #tpu.memory_space<semaphore_mem>>) src(%arg6 : memref<400x128xbf16, #tpu.memory_space<hbm>>) dst(%dma_wait3A_31 : memref<400x128xbf16, #tpu.memory_space<vmem_shared>>)
          tpu.yield
        }) : () -> ()
      }
      %scan3A_23 = arith.constant 5 : i32
    } else {
    }
    %mul3A_3 = arith.constant 80 : i32
    %mul3A_4 = arith.muli %add3A, %mul3A_3 : i32
    "tpu.region"() ({
      %run_scoped3A = tpu.sem_alloc : memref<!tpu.dma_semaphore, #tpu.memory_space<semaphore_mem>>
      %dma_start3A = arith.constant 0 : i32
      %dma_start3A_18 = tpu.memref_slice %arg4[%mul3A_4, %dma_start3A] : memref<2560x128xi32, #tpu.memory_space<hbm>> -> memref<80x128xi32, #tpu.memory_space<hbm>>
      %dma_start3A_19 = arith.constant 0 : i32
      %dma_start3A_20 = tpu.memref_slice %arg4[%mul3A_4, %dma_start3A_19] : memref<2560x128xi32, #tpu.memory_space<hbm>> -> memref<80x128xi32, #tpu.memory_space<hbm>>
      tpu.enqueue_dma source(%dma_start3A_20 : memref<80x128xi32, #tpu.memory_space<hbm>>) target(%arg8 : memref<80x128xi32, #tpu.memory_space<vmem>>) target_semaphore(%run_scoped3A : memref<!tpu.dma_semaphore, #tpu.memory_space<semaphore_mem>>)
      %dma_wait3A = arith.constant 0 : i32
      %dma_wait3A_21 = tpu.memref_slice %arg4[%mul3A_4, %dma_wait3A] : memref<2560x128xi32, #tpu.memory_space<hbm>> -> memref<80x128xi32, #tpu.memory_space<hbm>>
      %dma_wait3A_22 = arith.constant 0 : i32
      %dma_wait3A_23 = tpu.memref_slice %arg4[%mul3A_4, %dma_wait3A_22] : memref<2560x128xi32, #tpu.memory_space<hbm>> -> memref<80x128xi32, #tpu.memory_space<hbm>>
      tpu.wait_dma2 semaphore(%run_scoped3A : memref<!tpu.dma_semaphore, #tpu.memory_space<semaphore_mem>>) src(%dma_wait3A_23 : memref<80x128xi32, #tpu.memory_space<hbm>>) dst(%arg8 : memref<80x128xi32, #tpu.memory_space<vmem>>)
      tpu.yield
    }) : () -> ()
    %mul3A_5 = arith.constant 80 : i32
    %mul3A_6 = arith.muli %add3A, %mul3A_5 : i32
    "tpu.region"() ({
      %run_scoped3A = tpu.sem_alloc : memref<!tpu.dma_semaphore, #tpu.memory_space<semaphore_mem>>
      %dma_start3A = arith.constant 0 : i32
      %dma_start3A_18 = tpu.memref_slice %arg5[%mul3A_6, %dma_start3A] : memref<2560x128xi32, #tpu.memory_space<hbm>> -> memref<80x128xi32, #tpu.memory_space<hbm>>
      %dma_start3A_19 = arith.constant 0 : i32
      %dma_start3A_20 = tpu.memref_slice %arg5[%mul3A_6, %dma_start3A_19] : memref<2560x128xi32, #tpu.memory_space<hbm>> -> memref<80x128xi32, #tpu.memory_space<hbm>>
      tpu.enqueue_dma source(%dma_start3A_20 : memref<80x128xi32, #tpu.memory_space<hbm>>) target(%arg9 : memref<80x128xi32, #tpu.memory_space<vmem>>) target_semaphore(%run_scoped3A : memref<!tpu.dma_semaphore, #tpu.memory_space<semaphore_mem>>)
      %dma_wait3A = arith.constant 0 : i32
      %dma_wait3A_21 = tpu.memref_slice %arg5[%mul3A_6, %dma_wait3A] : memref<2560x128xi32, #tpu.memory_space<hbm>> -> memref<80x128xi32, #tpu.memory_space<hbm>>
      %dma_wait3A_22 = arith.constant 0 : i32
      %dma_wait3A_23 = tpu.memref_slice %arg5[%mul3A_6, %dma_wait3A_22] : memref<2560x128xi32, #tpu.memory_space<hbm>> -> memref<80x128xi32, #tpu.memory_space<hbm>>
      tpu.wait_dma2 semaphore(%run_scoped3A : memref<!tpu.dma_semaphore, #tpu.memory_space<semaphore_mem>>) src(%dma_wait3A_23 : memref<80x128xi32, #tpu.memory_space<hbm>>) dst(%arg9 : memref<80x128xi32, #tpu.memory_space<vmem>>)
      tpu.yield
    }) : () -> ()
    %barrier3A = arith.constant 0 : index
    tpu.barrier barrier_id(%barrier3A)
    %scan3A = arith.constant 0 : i32
    %scan3A_7 = arith.constant 0 : i32
    %scan3A_8 = arith.constant 80 : i32
    %scan3A_9 = arith.addi %scan3A_7, %scan3A_8 : i32
    %scan3A_10 = arith.constant 1 : i32
    scf.for %scan3A_18 = %scan3A_7 to %scan3A_9 step %scan3A_10  : i32 {
      %dma_start3A = arith.constant 0 : i32
      %dma_start3A_19 = tpu.memref_slice %arg8[%scan3A_18, %dma_start3A] : memref<80x128xi32, #tpu.memory_space<vmem>> -> memref<1x128xi32, #tpu.memory_space<vmem>>
      %dma_start3A_20 = tpu.memref_squeeze %dma_start3A_19 : memref<1x128xi32, #tpu.memory_space<vmem>> -> memref<128xi32, #tpu.memory_space<vmem>>
      %dma_start3A_21 = arith.constant 0 : i32
      %dma_start3A_22 = arith.constant 0 : i32
      %dma_start3A_23 = tpu.memref_slice %arg2[%dma_start3A_21, %dma_start3A_22] : memref<10000x128xf32, #tpu.memory_space<hbm>> -> memref<10000x128xf32, #tpu.memory_space<hbm>>
      tpu.enqueue_indirect_dma source(%dma_start3A_23 : memref<10000x128xf32, #tpu.memory_space<hbm>>) target(%arg11 : memref<128x128xf32, #tpu.memory_space<vmem>>) offsets(%dma_start3A_20 : memref<128xi32, #tpu.memory_space<vmem>>) semaphore(%arg14 : memref<!tpu.dma_semaphore, #tpu.memory_space<semaphore_mem>>)
      %dma_wait3A = arith.constant 0 : i32
      %dma_wait3A_24 = tpu.memref_slice %arg8[%scan3A_18, %dma_wait3A] : memref<80x128xi32, #tpu.memory_space<vmem>> -> memref<1x128xi32, #tpu.memory_space<vmem>>
      %dma_wait3A_25 = tpu.memref_squeeze %dma_wait3A_24 : memref<1x128xi32, #tpu.memory_space<vmem>> -> memref<128xi32, #tpu.memory_space<vmem>>
      %dma_wait3A_26 = arith.constant 0 : i32
      %dma_wait3A_27 = arith.constant 0 : i32
      %dma_wait3A_28 = tpu.memref_slice %arg2[%dma_wait3A_26, %dma_wait3A_27] : memref<10000x128xf32, #tpu.memory_space<hbm>> -> memref<10000x128xf32, #tpu.memory_space<hbm>>
      tpu.wait_indirect_dma semaphore(%arg14 : memref<!tpu.dma_semaphore, #tpu.memory_space<semaphore_mem>>) src(%dma_wait3A_28 : memref<10000x128xf32, #tpu.memory_space<hbm>>) dst(%arg11 : memref<128x128xf32, #tpu.memory_space<vmem>>)
      %mul3A_29 = arith.constant 80 : i32
      %mul3A_30 = arith.muli %add3A, %mul3A_29 : i32
      %add3A_31 = arith.addi %mul3A_30, %scan3A_18 : i32
      %mul3A_32 = arith.constant 128 : i32
      %mul3A_33 = arith.muli %add3A_31, %mul3A_32 : i32
      "tpu.region"() ({
        %run_scoped3A = tpu.sem_alloc : memref<!tpu.dma_semaphore, #tpu.memory_space<semaphore_mem>>
        %dma_start3A_40 = arith.constant 0 : i32
        %dma_start3A_41 = tpu.memref_slice %arg3[%mul3A_33, %dma_start3A_40] : memref<327680x128xf32, #tpu.memory_space<hbm>> -> memref<128x128xf32, #tpu.memory_space<hbm>>
        %dma_start3A_42 = arith.constant 0 : i32
        %dma_start3A_43 = tpu.memref_slice %arg3[%mul3A_33, %dma_start3A_42] : memref<327680x128xf32, #tpu.memory_space<hbm>> -> memref<128x128xf32, #tpu.memory_space<hbm>>
        tpu.enqueue_dma source(%dma_start3A_43 : memref<128x128xf32, #tpu.memory_space<hbm>>) target(%arg10 : memref<128x128xf32, #tpu.memory_space<vmem>>) target_semaphore(%run_scoped3A : memref<!tpu.dma_semaphore, #tpu.memory_space<semaphore_mem>>)
        %dma_wait3A_44 = arith.constant 0 : i32
        %dma_wait3A_45 = tpu.memref_slice %arg3[%mul3A_33, %dma_wait3A_44] : memref<327680x128xf32, #tpu.memory_space<hbm>> -> memref<128x128xf32, #tpu.memory_space<hbm>>
        %dma_wait3A_46 = arith.constant 0 : i32
        %dma_wait3A_47 = tpu.memref_slice %arg3[%mul3A_33, %dma_wait3A_46] : memref<327680x128xf32, #tpu.memory_space<hbm>> -> memref<128x128xf32, #tpu.memory_space<hbm>>
        tpu.wait_dma2 semaphore(%run_scoped3A : memref<!tpu.dma_semaphore, #tpu.memory_space<semaphore_mem>>) src(%dma_wait3A_47 : memref<128x128xf32, #tpu.memory_space<hbm>>) dst(%arg10 : memref<128x128xf32, #tpu.memory_space<vmem>>)
        tpu.yield
      }) : () -> ()
      %scan3A_34 = arith.constant 0 : i32
      %scan3A_35 = arith.constant 0 : i32
      %scan3A_36 = arith.constant 128 : i32
      %scan3A_37 = arith.addi %scan3A_35, %scan3A_36 : i32
      %scan3A_38 = arith.constant 1 : i32
      scf.for %scan3A_40 = %scan3A_35 to %scan3A_37 step %scan3A_38  : i32 {
        %get3A = arith.index_cast %scan3A_40 : i32 to index
        %get3A_41 = arith.constant 0 : index
        %get3A_42 = tpu.vector_load %arg11[%get3A, %get3A_41] {strides = array<i32>} : memref<128x128xf32, #tpu.memory_space<vmem>>, vector<16xf32>,
        %get3A_43 = arith.index_cast %scan3A_40 : i32 to index
        %get3A_44 = arith.constant 0 : index
        %get3A_45 = tpu.vector_load %arg10[%get3A_43, %get3A_44] {strides = array<i32>} : memref<128x128xf32, #tpu.memory_space<vmem>>, vector<16xf32>,
        %mul3A_46 = arith.mulf %get3A_42, %get3A_45 : vector<16xf32>
        %get3A_47 = arith.index_cast %scan3A_40 : i32 to index
        %get3A_48 = arith.constant 16 : index
        %get3A_49 = tpu.vector_load %arg11[%get3A_47, %get3A_48] {strides = array<i32>} : memref<128x128xf32, #tpu.memory_space<vmem>>, vector<16xf32>,
        %get3A_50 = arith.index_cast %scan3A_40 : i32 to index
        %get3A_51 = arith.constant 16 : index
        %get3A_52 = tpu.vector_load %arg10[%get3A_50, %get3A_51] {strides = array<i32>} : memref<128x128xf32, #tpu.memory_space<vmem>>, vector<16xf32>,
        %mul3A_53 = arith.mulf %get3A_49, %get3A_52 : vector<16xf32>
        %pack3A = tpu.pack_subelements %mul3A_46, %mul3A_53 {pack_format = #tpu.pack_format<interleaved>, positions = array<i32: 0, 1>} : vector<16xf32>, vector<16xf32> -> vector<32xbf16>
        %swap3A = arith.index_cast %scan3A_40 : i32 to index
        %swap3A_54 = arith.constant 0 : index
        %swap3A_55 = tpu.vector_load %arg12[%swap3A, %swap3A_54] {strides = array<i32>} : memref<128x128xbf16, #tpu.memory_space<vmem>>, vector<32xbf16>,
        tpu.vector_store %arg12[%swap3A, %swap3A_54], %pack3A {strides = array<i32>} : memref<128x128xbf16, #tpu.memory_space<vmem>>, vector<32xbf16>,
        %get3A_56 = arith.index_cast %scan3A_40 : i32 to index
        %get3A_57 = arith.constant 32 : index
        %get3A_58 = tpu.vector_load %arg11[%get3A_56, %get3A_57] {strides = array<i32>} : memref<128x128xf32, #tpu.memory_space<vmem>>, vector<16xf32>,
        %get3A_59 = arith.index_cast %scan3A_40 : i32 to index
        %get3A_60 = arith.constant 32 : index
        %get3A_61 = tpu.vector_load %arg10[%get3A_59, %get3A_60] {strides = array<i32>} : memref<128x128xf32, #tpu.memory_space<vmem>>, vector<16xf32>,
        %mul3A_62 = arith.mulf %get3A_58, %get3A_61 : vector<16xf32>
        %get3A_63 = arith.index_cast %scan3A_40 : i32 to index
        %get3A_64 = arith.constant 48 : index
        %get3A_65 = tpu.vector_load %arg11[%get3A_63, %get3A_64] {strides = array<i32>} : memref<128x128xf32, #tpu.memory_space<vmem>>, vector<16xf32>,
        %get3A_66 = arith.index_cast %scan3A_40 : i32 to index
        %get3A_67 = arith.constant 48 : index
        %get3A_68 = tpu.vector_load %arg10[%get3A_66, %get3A_67] {strides = array<i32>} : memref<128x128xf32, #tpu.memory_space<vmem>>, vector<16xf32>,
        %mul3A_69 = arith.mulf %get3A_65, %get3A_68 : vector<16xf32>
        %pack3A_70 = tpu.pack_subelements %mul3A_62, %mul3A_69 {pack_format = #tpu.pack_format<interleaved>, positions = array<i32: 0, 1>} : vector<16xf32>, vector<16xf32> -> vector<32xbf16>
        %swap3A_71 = arith.index_cast %scan3A_40 : i32 to index
        %swap3A_72 = arith.constant 32 : index
        %swap3A_73 = tpu.vector_load %arg12[%swap3A_71, %swap3A_72] {strides = array<i32>} : memref<128x128xbf16, #tpu.memory_space<vmem>>, vector<32xbf16>,
        tpu.vector_store %arg12[%swap3A_71, %swap3A_72], %pack3A_70 {strides = array<i32>} : memref<128x128xbf16, #tpu.memory_space<vmem>>, vector<32xbf16>,
        %get3A_74 = arith.index_cast %scan3A_40 : i32 to index
        %get3A_75 = arith.constant 64 : index
        %get3A_76 = tpu.vector_load %arg11[%get3A_74, %get3A_75] {strides = array<i32>} : memref<128x128xf32, #tpu.memory_space<vmem>>, vector<16xf32>,
        %get3A_77 = arith.index_cast %scan3A_40 : i32 to index
        %get3A_78 = arith.constant 64 : index
        %get3A_79 = tpu.vector_load %arg10[%get3A_77, %get3A_78] {strides = array<i32>} : memref<128x128xf32, #tpu.memory_space<vmem>>, vector<16xf32>,
        %mul3A_80 = arith.mulf %get3A_76, %get3A_79 : vector<16xf32>
        %get3A_81 = arith.index_cast %scan3A_40 : i32 to index
        %get3A_82 = arith.constant 80 : index
        %get3A_83 = tpu.vector_load %arg11[%get3A_81, %get3A_82] {strides = array<i32>} : memref<128x128xf32, #tpu.memory_space<vmem>>, vector<16xf32>,
        %get3A_84 = arith.index_cast %scan3A_40 : i32 to index
        %get3A_85 = arith.constant 80 : index
        %get3A_86 = tpu.vector_load %arg10[%get3A_84, %get3A_85] {strides = array<i32>} : memref<128x128xf32, #tpu.memory_space<vmem>>, vector<16xf32>,
        %mul3A_87 = arith.mulf %get3A_83, %get3A_86 : vector<16xf32>
        %pack3A_88 = tpu.pack_subelements %mul3A_80, %mul3A_87 {pack_format = #tpu.pack_format<interleaved>, positions = array<i32: 0, 1>} : vector<16xf32>, vector<16xf32> -> vector<32xbf16>
        %swap3A_89 = arith.index_cast %scan3A_40 : i32 to index
        %swap3A_90 = arith.constant 64 : index
        %swap3A_91 = tpu.vector_load %arg12[%swap3A_89, %swap3A_90] {strides = array<i32>} : memref<128x128xbf16, #tpu.memory_space<vmem>>, vector<32xbf16>,
        tpu.vector_store %arg12[%swap3A_89, %swap3A_90], %pack3A_88 {strides = array<i32>} : memref<128x128xbf16, #tpu.memory_space<vmem>>, vector<32xbf16>,
        %get3A_92 = arith.index_cast %scan3A_40 : i32 to index
        %get3A_93 = arith.constant 96 : index
        %get3A_94 = tpu.vector_load %arg11[%get3A_92, %get3A_93] {strides = array<i32>} : memref<128x128xf32, #tpu.memory_space<vmem>>, vector<16xf32>,
        %get3A_95 = arith.index_cast %scan3A_40 : i32 to index
        %get3A_96 = arith.constant 96 : index
        %get3A_97 = tpu.vector_load %arg10[%get3A_95, %get3A_96] {strides = array<i32>} : memref<128x128xf32, #tpu.memory_space<vmem>>, vector<16xf32>,
        %mul3A_98 = arith.mulf %get3A_94, %get3A_97 : vector<16xf32>
        %get3A_99 = arith.index_cast %scan3A_40 : i32 to index
        %get3A_100 = arith.constant 112 : index
        %get3A_101 = tpu.vector_load %arg11[%get3A_99, %get3A_100] {strides = array<i32>} : memref<128x128xf32, #tpu.memory_space<vmem>>, vector<16xf32>,
        %get3A_102 = arith.index_cast %scan3A_40 : i32 to index
        %get3A_103 = arith.constant 112 : index
        %get3A_104 = tpu.vector_load %arg10[%get3A_102, %get3A_103] {strides = array<i32>} : memref<128x128xf32, #tpu.memory_space<vmem>>, vector<16xf32>,
        %mul3A_105 = arith.mulf %get3A_101, %get3A_104 : vector<16xf32>
        %pack3A_106 = tpu.pack_subelements %mul3A_98, %mul3A_105 {pack_format = #tpu.pack_format<interleaved>, positions = array<i32: 0, 1>} : vector<16xf32>, vector<16xf32> -> vector<32xbf16>
        %swap3A_107 = arith.index_cast %scan3A_40 : i32 to index
        %swap3A_108 = arith.constant 96 : index
        %swap3A_109 = tpu.vector_load %arg12[%swap3A_107, %swap3A_108] {strides = array<i32>} : memref<128x128xbf16, #tpu.memory_space<vmem>>, vector<32xbf16>,
        tpu.vector_store %arg12[%swap3A_107, %swap3A_108], %pack3A_106 {strides = array<i32>} : memref<128x128xbf16, #tpu.memory_space<vmem>>, vector<32xbf16>,
      }
      %scan3A_39 = arith.constant 128 : i32
      "tpu.region"() ({
        %run_scoped3A = tpu.sem_alloc : memref<!tpu.dma_semaphore, #tpu.memory_space<semaphore_mem>>
        %dma_start3A_40 = arith.constant 0 : i32
        %dma_start3A_41 = tpu.memref_slice %arg9[%scan3A_18, %dma_start3A_40] : memref<80x128xi32, #tpu.memory_space<vmem>> -> memref<1x128xi32, #tpu.memory_space<vmem>>
        %dma_start3A_42 = tpu.memref_squeeze %dma_start3A_41 : memref<1x128xi32, #tpu.memory_space<vmem>> -> memref<128xi32, #tpu.memory_space<vmem>>
        %dma_start3A_43 = arith.constant 0 : i32
        %dma_start3A_44 = arith.constant 0 : i32
        %dma_start3A_45 = tpu.memref_slice %arg13[%dma_start3A_43, %dma_start3A_44] : memref<10000x128xbf16, #tpu.memory_space<vmem_shared>> -> memref<10000x128xbf16, #tpu.memory_space<vmem_shared>>
        tpu.enqueue_indirect_dma source(%arg12 : memref<128x128xbf16, #tpu.memory_space<vmem>>) target(%dma_start3A_45 : memref<10000x128xbf16, #tpu.memory_space<vmem_shared>>) offsets(%dma_start3A_42 : memref<128xi32, #tpu.memory_space<vmem>>) semaphore(%run_scoped3A : memref<!tpu.dma_semaphore, #tpu.memory_space<semaphore_mem>>) {add = true}
        %dma_wait3A_46 = arith.constant 0 : i32
        %dma_wait3A_47 = tpu.memref_slice %arg9[%scan3A_18, %dma_wait3A_46] : memref<80x128xi32, #tpu.memory_space<vmem>> -> memref<1x128xi32, #tpu.memory_space<vmem>>
        %dma_wait3A_48 = tpu.memref_squeeze %dma_wait3A_47 : memref<1x128xi32, #tpu.memory_space<vmem>> -> memref<128xi32, #tpu.memory_space<vmem>>
        %dma_wait3A_49 = arith.constant 0 : i32
        %dma_wait3A_50 = arith.constant 0 : i32
        %dma_wait3A_51 = tpu.memref_slice %arg13[%dma_wait3A_49, %dma_wait3A_50] : memref<10000x128xbf16, #tpu.memory_space<vmem_shared>> -> memref<10000x128xbf16, #tpu.memory_space<vmem_shared>>
        tpu.wait_indirect_dma semaphore(%run_scoped3A : memref<!tpu.dma_semaphore, #tpu.memory_space<semaphore_mem>>) src(%arg12 : memref<128x128xbf16, #tpu.memory_space<vmem>>) dst(%dma_wait3A_51 : memref<10000x128xbf16, #tpu.memory_space<vmem_shared>>)
        tpu.yield
      }) : () -> ()
    }
    %scan3A_11 = arith.constant 80 : i32
    %barrier3A_12 = arith.constant 0 : index
    tpu.barrier barrier_id(%barrier3A_12)
    %lt3A_13 = arith.constant 5 : i32
    %lt3A_14 = arith.cmpi slt, %arg1, %lt3A_13 : i32
    %convert_element_type3A_15 = arith.extui %lt3A_14 : i1 to i32
    %cond3A_16 = arith.constant 0 : i32
    %cond3A_17 = arith.cmpi ne, %convert_element_type3A_15, %cond3A_16 : i32
    scf.if %cond3A_17 {
      %mul3A_18 = arith.constant 2000 : i32
      %mul3A_19 = arith.muli %arg1, %mul3A_18 : i32
      %mul3A_20 = arith.constant 2000 : i32
      %mul3A_21 = arith.muli %arg1, %mul3A_20 : i32
      "tpu.region"() ({
        %run_scoped3A = tpu.sem_alloc : memref<!tpu.dma_semaphore, #tpu.memory_space<semaphore_mem>>
        %dma_start3A = arith.constant 0 : i32
        %dma_start3A_22 = tpu.memref_slice %arg7[%arg0, %mul3A_21, %dma_start3A] : memref<2x10000x128xbf16, #tpu.memory_space<hbm>> -> memref<1x2000x128xbf16, #tpu.memory_space<hbm>>
        %dma_start3A_23 = tpu.memref_squeeze %dma_start3A_22 : memref<1x2000x128xbf16, #tpu.memory_space<hbm>> -> memref<2000x128xbf16, #tpu.memory_space<hbm>>
        %dma_start3A_24 = arith.constant 0 : i32
        %dma_start3A_25 = tpu.memref_slice %arg13[%mul3A_19, %dma_start3A_24] : memref<10000x128xbf16, #tpu.memory_space<vmem_shared>> -> memref<2000x128xbf16, #tpu.memory_space<vmem_shared>>
        tpu.enqueue_dma source(%dma_start3A_25 : memref<2000x128xbf16, #tpu.memory_space<vmem_shared>>) target(%dma_start3A_23 : memref<2000x128xbf16, #tpu.memory_space<hbm>>) target_semaphore(%run_scoped3A : memref<!tpu.dma_semaphore, #tpu.memory_space<semaphore_mem>>)
        %dma_wait3A = arith.constant 0 : i32
        %dma_wait3A_26 = tpu.memref_slice %arg7[%arg0, %mul3A_21, %dma_wait3A] : memref<2x10000x128xbf16, #tpu.memory_space<hbm>> -> memref<1x2000x128xbf16, #tpu.memory_space<hbm>>
        %dma_wait3A_27 = tpu.memref_squeeze %dma_wait3A_26 : memref<1x2000x128xbf16, #tpu.memory_space<hbm>> -> memref<2000x128xbf16, #tpu.memory_space<hbm>>
        %dma_wait3A_28 = arith.constant 0 : i32
        %dma_wait3A_29 = tpu.memref_slice %arg13[%mul3A_19, %dma_wait3A_28] : memref<10000x128xbf16, #tpu.memory_space<vmem_shared>> -> memref<2000x128xbf16, #tpu.memory_space<vmem_shared>>
        tpu.wait_dma2 semaphore(%run_scoped3A : memref<!tpu.dma_semaphore, #tpu.memory_space<semaphore_mem>>) src(%dma_wait3A_29 : memref<2000x128xbf16, #tpu.memory_space<vmem_shared>>) dst(%dma_wait3A_27 : memref<2000x128xbf16, #tpu.memory_space<hbm>>)
        tpu.yield
      }) : () -> ()
    } else {
    }
    return
  }
}

module attributes {stable_mosaic.version = 14 : i64} {
  func.func @_dense_bias_kernel(%arg0: i32, %arg1: memref<1000x128xf32, #tpu.memory_space<vmem>>, %arg2: memref<128x128xf32, #tpu.memory_space<vmem>>, %arg3: memref<1x128xf32, #tpu.memory_space<vmem>>, %arg4: memref<1000x128xf32, #tpu.memory_space<vmem>>) attributes {dimension_semantics = [#tpu.dimension_semantics<arbitrary>], iteration_bounds = array<i64: 10>, scalar_prefetch = 0 : i64, scratch_operands = 0 : i64, tpu.core_type = #tpu.core_type<tc>, window_params = [{transform_indices = @transform_0, window_bounds = array<i64: 1000, 128>}, {pipeline_mode = #tpu.pipeline_mode<synchronous>, transform_indices = @transform_1, window_bounds = array<i64: 128, 128>}, {pipeline_mode = #tpu.pipeline_mode<synchronous>, transform_indices = @transform_2, window_bounds = array<i64: 1, 128>}, {transform_indices = @transform_3, window_bounds = array<i64: 1000, 128>}]} {
    %get3A = arith.constant 0 : index
    %get3A_0 = arith.constant 0 : index
    %get3A_1 = vector.load %arg1[%get3A, %get3A_0] : memref<1000x128xf32, #tpu.memory_space<vmem>>, vector<1000x128xf32>
    %get3A_2 = arith.constant 0 : index
    %get3A_3 = arith.constant 0 : index
    %get3A_4 = vector.load %arg2[%get3A_2, %get3A_3] : memref<128x128xf32, #tpu.memory_space<vmem>>, vector<128x128xf32>
    %dot_general3A = arith.constant dense<0.000000e+00> : vector<1000x128xf32>
    %dot_general3A_5 = tpu.matmul %get3A_1, %get3A_4, %dot_general3A {dimension_numbers = #tpu.dot_dimension_numbers<[1], [0], [0], [1], [0, 0, 1, 1], [], []>, transpose_lhs_hint = false} : vector<1000x128xf32>, vector<128x128xf32>, vector<1000x128xf32> -> vector<1000x128xf32>
    %get3A_6 = arith.constant 0 : index
    %get3A_7 = arith.constant 0 : index
    %get3A_8 = vector.load %arg3[%get3A_6, %get3A_7] : memref<1x128xf32, #tpu.memory_space<vmem>>, vector<1x128xf32>
    %add3A = vector.broadcast %get3A_8 : vector<1x128xf32> to vector<1000x128xf32>
    %add3A_9 = arith.addf %dot_general3A_5, %add3A : vector<1000x128xf32>
    %swap3A = arith.constant 0 : index
    %swap3A_10 = arith.constant 0 : index
    %swap3A_11 = vector.load %arg4[%swap3A, %swap3A_10] : memref<1000x128xf32, #tpu.memory_space<vmem>>, vector<1000x128xf32>
    tpu.vector_store %arg4[%swap3A, %swap3A_10], %add3A_9 {strides = array<i32>} : memref<1000x128xf32, #tpu.memory_space<vmem>>, vector<1000x128xf32>,
    return
  }
  func.func @transform_0(%arg0: i32) -> (i32, i32) {
    %c0_i32 = arith.constant 0 : i32
    %c0_i32_0 = arith.constant 0 : i32
    return %arg0, %c0_i32 : i32, i32
  }
  func.func @transform_1(%arg0: i32) -> (i32, i32) {
    %c0_i32 = arith.constant 0 : i32
    %c0_i32_0 = arith.constant 0 : i32
    %c0_i32_1 = arith.constant 0 : i32
    return %c0_i32, %c0_i32_0 : i32, i32
  }
  func.func @transform_2(%arg0: i32) -> (i32, i32) {
    %c0_i32 = arith.constant 0 : i32
    %c0_i32_0 = arith.constant 0 : i32
    %c0_i32_1 = arith.constant 0 : i32
    return %c0_i32, %c0_i32_0 : i32, i32
  }
  func.func @transform_3(%arg0: i32) -> (i32, i32) {
    %c0_i32 = arith.constant 0 : i32
    %c0_i32_0 = arith.constant 0 : i32
    return %arg0, %c0_i32 : i32, i32
  }
}

module attributes {stable_mosaic.version = 14 : i64} {
  func.func @_edge_feat_kernel(%arg0: i32, %arg1: memref<2048x1xf32, #tpu.memory_space<vmem>>, %arg2: memref<2048x1xf32, #tpu.memory_space<vmem>>, %arg3: memref<1x64xf32, #tpu.memory_space<vmem>>, %arg4: memref<1x1xf32, #tpu.memory_space<smem>>, %arg5: memref<64x128xf32, #tpu.memory_space<vmem>>, %arg6: memref<1x128xf32, #tpu.memory_space<vmem>>, %arg7: memref<128x128xf32, #tpu.memory_space<vmem>>, %arg8: memref<1x128xf32, #tpu.memory_space<vmem>>, %arg9: memref<2048x128xf32, #tpu.memory_space<vmem>>) attributes {dimension_semantics = [#tpu.dimension_semantics<arbitrary>], iteration_bounds = array<i64: 160>, scalar_prefetch = 0 : i64, scratch_operands = 0 : i64, tpu.core_type = #tpu.core_type<tc>, window_params = [{transform_indices = @transform_0, window_bounds = array<i64: 2048, 1>}, {transform_indices = @transform_1, window_bounds = array<i64: 2048, 1>}, {pipeline_mode = #tpu.pipeline_mode<synchronous>, transform_indices = @transform_2, window_bounds = array<i64: 1, 64>}, {transform_indices = @transform_3, window_bounds = array<i64: 1, 1>}, {pipeline_mode = #tpu.pipeline_mode<synchronous>, transform_indices = @transform_4, window_bounds = array<i64: 64, 128>}, {pipeline_mode = #tpu.pipeline_mode<synchronous>, transform_indices = @transform_5, window_bounds = array<i64: 1, 128>}, {pipeline_mode = #tpu.pipeline_mode<synchronous>, transform_indices = @transform_6, window_bounds = array<i64: 128, 128>}, {pipeline_mode = #tpu.pipeline_mode<synchronous>, transform_indices = @transform_7, window_bounds = array<i64: 1, 128>}, {transform_indices = @transform_8, window_bounds = array<i64: 2048, 128>}]} {
    %get3A = arith.constant 0 : index
    %get3A_0 = arith.constant 0 : index
    %get3A_1 = vector.load %arg1[%get3A, %get3A_0] : memref<2048x1xf32, #tpu.memory_space<vmem>>, vector<2048x1xf32>
    %get3A_2 = arith.constant 0 : index
    %get3A_3 = arith.constant 0 : index
    %get3A_4 = memref.load %arg4[%get3A_2, %get3A_3] : memref<1x1xf32, #tpu.memory_space<smem>>
    %get3A_5 = arith.constant 0 : index
    %get3A_6 = arith.constant 0 : index
    %get3A_7 = vector.load %arg3[%get3A_5, %get3A_6] : memref<1x64xf32, #tpu.memory_space<vmem>>, vector<1x64xf32>
    %sub3A = vector.broadcast %get3A_7 : vector<1x64xf32> to vector<2048x64xf32>
    %sub3A_8 = vector.broadcast %get3A_1 : vector<2048x1xf32> to vector<2048x64xf32>
    %sub3A_9 = arith.subf %sub3A, %sub3A_8 : vector<2048x64xf32>
    %neg3A = arith.constant 0.000000e+00 : f32
    %neg3A_10 = arith.subf %neg3A, %get3A_4 : f32
    %mul3A = vector.broadcast %neg3A_10 : f32 to vector<2048x64xf32>
    %mul3A_11 = arith.mulf %mul3A, %sub3A_9 : vector<2048x64xf32>
    %mul3A_12 = arith.mulf %mul3A_11, %sub3A_9 : vector<2048x64xf32>
    %exp3A = math.exp %mul3A_12 : vector<2048x64xf32>
    %get3A_13 = arith.constant 0 : index
    %get3A_14 = arith.constant 0 : index
    %get3A_15 = vector.load %arg5[%get3A_13, %get3A_14] : memref<64x128xf32, #tpu.memory_space<vmem>>, vector<64x128xf32>
    %dot_general3A = arith.constant dense<0.000000e+00> : vector<2048x128xf32>
    %dot_general3A_16 = tpu.matmul %exp3A, %get3A_15, %dot_general3A {dimension_numbers = #tpu.dot_dimension_numbers<[1], [0], [0], [1], [0, 0, 1, 1], [], []>, transpose_lhs_hint = false} : vector<2048x64xf32>, vector<64x128xf32>, vector<2048x128xf32> -> vector<2048x128xf32>
    %get3A_17 = arith.constant 0 : index
    %get3A_18 = arith.constant 0 : index
    %get3A_19 = vector.load %arg6[%get3A_17, %get3A_18] : memref<1x128xf32, #tpu.memory_space<vmem>>, vector<1x128xf32>
    %add3A = vector.broadcast %get3A_19 : vector<1x128xf32> to vector<2048x128xf32>
    %add3A_20 = arith.addf %dot_general3A_16, %add3A : vector<2048x128xf32>
    %logistic3A = arith.negf %add3A_20 : vector<2048x128xf32>
    %logistic3A_21 = math.exp %logistic3A : vector<2048x128xf32>
    %logistic3A_22 = arith.constant 1.000000e+00 : f32
    %logistic3A_23 = vector.broadcast %logistic3A_22 : f32 to vector<2048x128xf32>
    %logistic3A_24 = arith.addf %logistic3A_23, %logistic3A_21 : vector<2048x128xf32>
    %logistic3A_25 = arith.divf %logistic3A_23, %logistic3A_24 : vector<2048x128xf32>
    %mul3A_26 = arith.mulf %add3A_20, %logistic3A_25 : vector<2048x128xf32>
    %get3A_27 = arith.constant 0 : index
    %get3A_28 = arith.constant 0 : index
    %get3A_29 = vector.load %arg7[%get3A_27, %get3A_28] : memref<128x128xf32, #tpu.memory_space<vmem>>, vector<128x128xf32>
    %dot_general3A_30 = arith.constant dense<0.000000e+00> : vector<2048x128xf32>
    %dot_general3A_31 = tpu.matmul %mul3A_26, %get3A_29, %dot_general3A_30 {dimension_numbers = #tpu.dot_dimension_numbers<[1], [0], [0], [1], [0, 0, 1, 1], [], []>, transpose_lhs_hint = false} : vector<2048x128xf32>, vector<128x128xf32>, vector<2048x128xf32> -> vector<2048x128xf32>
    %get3A_32 = arith.constant 0 : index
    %get3A_33 = arith.constant 0 : index
    %get3A_34 = vector.load %arg8[%get3A_32, %get3A_33] : memref<1x128xf32, #tpu.memory_space<vmem>>, vector<1x128xf32>
    %add3A_35 = vector.broadcast %get3A_34 : vector<1x128xf32> to vector<2048x128xf32>
    %add3A_36 = arith.addf %dot_general3A_31, %add3A_35 : vector<2048x128xf32>
    %logistic3A_37 = arith.negf %add3A_36 : vector<2048x128xf32>
    %logistic3A_38 = math.exp %logistic3A_37 : vector<2048x128xf32>
    %logistic3A_39 = arith.constant 1.000000e+00 : f32
    %logistic3A_40 = vector.broadcast %logistic3A_39 : f32 to vector<2048x128xf32>
    %logistic3A_41 = arith.addf %logistic3A_40, %logistic3A_38 : vector<2048x128xf32>
    %logistic3A_42 = arith.divf %logistic3A_40, %logistic3A_41 : vector<2048x128xf32>
    %mul3A_43 = arith.mulf %add3A_36, %logistic3A_42 : vector<2048x128xf32>
    %get3A_44 = arith.constant 0 : index
    %get3A_45 = arith.constant 0 : index
    %get3A_46 = vector.load %arg2[%get3A_44, %get3A_45] : memref<2048x1xf32, #tpu.memory_space<vmem>>, vector<2048x1xf32>
    %mul3A_47 = vector.broadcast %get3A_46 : vector<2048x1xf32> to vector<2048x128xf32>
    %mul3A_48 = arith.mulf %mul3A_43, %mul3A_47 : vector<2048x128xf32>
    %swap3A = arith.constant 0 : index
    %swap3A_49 = arith.constant 0 : index
    %swap3A_50 = vector.load %arg9[%swap3A, %swap3A_49] : memref<2048x128xf32, #tpu.memory_space<vmem>>, vector<2048x128xf32>
    tpu.vector_store %arg9[%swap3A, %swap3A_49], %mul3A_48 {strides = array<i32>} : memref<2048x128xf32, #tpu.memory_space<vmem>>, vector<2048x128xf32>,
    return
  }
  func.func @transform_0(%arg0: i32) -> (i32, i32) {
    %c0_i32 = arith.constant 0 : i32
    %c0_i32_0 = arith.constant 0 : i32
    return %arg0, %c0_i32 : i32, i32
  }
  func.func @transform_1(%arg0: i32) -> (i32, i32) {
    %c0_i32 = arith.constant 0 : i32
    %c0_i32_0 = arith.constant 0 : i32
    return %arg0, %c0_i32 : i32, i32
  }
  func.func @transform_2(%arg0: i32) -> (i32, i32) {
    %c0_i32 = arith.constant 0 : i32
    %c0_i32_0 = arith.constant 0 : i32
    %c0_i32_1 = arith.constant 0 : i32
    return %c0_i32, %c0_i32_0 : i32, i32
  }
  func.func @transform_3(%arg0: i32) -> (i32, i32) {
    %c0_i32 = arith.constant 0 : i32
    %c0_i32_0 = arith.constant 0 : i32
    %c0_i32_1 = arith.constant 0 : i32
    return %c0_i32, %c0_i32_0 : i32, i32
  }
  func.func @transform_4(%arg0: i32) -> (i32, i32) {
    %c0_i32 = arith.constant 0 : i32
    %c0_i32_0 = arith.constant 0 : i32
    %c0_i32_1 = arith.constant 0 : i32
    return %c0_i32, %c0_i32_0 : i32, i32
  }
  func.func @transform_5(%arg0: i32) -> (i32, i32) {
    %c0_i32 = arith.constant 0 : i32
    %c0_i32_0 = arith.constant 0 : i32
    %c0_i32_1 = arith.constant 0 : i32
    return %c0_i32, %c0_i32_0 : i32, i32
  }
  func.func @transform_6(%arg0: i32) -> (i32, i32) {
    %c0_i32 = arith.constant 0 : i32
    %c0_i32_0 = arith.constant 0 : i32
    %c0_i32_1 = arith.constant 0 : i32
    return %c0_i32, %c0_i32_0 : i32, i32
  }
  func.func @transform_7(%arg0: i32) -> (i32, i32) {
    %c0_i32 = arith.constant 0 : i32
    %c0_i32_0 = arith.constant 0 : i32
    %c0_i32_1 = arith.constant 0 : i32
    return %c0_i32, %c0_i32_0 : i32, i32
  }
  func.func @transform_8(%arg0: i32) -> (i32, i32) {
    %c0_i32 = arith.constant 0 : i32
    %c0_i32_0 = arith.constant 0 : i32
    return %arg0, %c0_i32 : i32, i32
  }
}

module attributes {stable_mosaic.version = 14 : i64} {
  func.func @_final_kernel(%arg0: i32, %arg1: memref<1000x128xf32, #tpu.memory_space<vmem>>, %arg2: memref<2x1000x128xbf16, #tpu.memory_space<vmem>>, %arg3: memref<128x128xf32, #tpu.memory_space<vmem>>, %arg4: memref<1x128xf32, #tpu.memory_space<vmem>>, %arg5: memref<128x128xf32, #tpu.memory_space<vmem>>, %arg6: memref<1x128xf32, #tpu.memory_space<vmem>>, %arg7: memref<1000x128xf32, #tpu.memory_space<vmem>>) attributes {dimension_semantics = [#tpu.dimension_semantics<arbitrary>], iteration_bounds = array<i64: 10>, scalar_prefetch = 0 : i64, scratch_operands = 0 : i64, tpu.core_type = #tpu.core_type<tc>, window_params = [{transform_indices = @transform_0, window_bounds = array<i64: 1000, 128>}, {transform_indices = @transform_1, window_bounds = array<i64: 2, 1000, 128>}, {pipeline_mode = #tpu.pipeline_mode<synchronous>, transform_indices = @transform_2, window_bounds = array<i64: 128, 128>}, {pipeline_mode = #tpu.pipeline_mode<synchronous>, transform_indices = @transform_3, window_bounds = array<i64: 1, 128>}, {pipeline_mode = #tpu.pipeline_mode<synchronous>, transform_indices = @transform_4, window_bounds = array<i64: 128, 128>}, {pipeline_mode = #tpu.pipeline_mode<synchronous>, transform_indices = @transform_5, window_bounds = array<i64: 1, 128>}, {transform_indices = @transform_6, window_bounds = array<i64: 1000, 128>}]} {
    %get3A = arith.constant 0 : index
    %get3A_0 = arith.constant 0 : index
    %get3A_1 = arith.constant 0 : index
    %get3A_2 = vector.load %arg2[%get3A, %get3A_0, %get3A_1] : memref<2x1000x128xbf16, #tpu.memory_space<vmem>>, vector<1x1000x128xbf16>
    %get3A_3 = vector.shape_cast %get3A_2 : vector<1x1000x128xbf16> to vector<1000x128xbf16>
    %convert_element_type3A = arith.extf %get3A_3 : vector<1000x128xbf16> to vector<1000x128xf32>
    %get3A_4 = arith.constant 1 : index
    %get3A_5 = arith.constant 0 : index
    %get3A_6 = arith.constant 0 : index
    %get3A_7 = vector.load %arg2[%get3A_4, %get3A_5, %get3A_6] : memref<2x1000x128xbf16, #tpu.memory_space<vmem>>, vector<1x1000x128xbf16>
    %get3A_8 = vector.shape_cast %get3A_7 : vector<1x1000x128xbf16> to vector<1000x128xbf16>
    %convert_element_type3A_9 = arith.extf %get3A_8 : vector<1000x128xbf16> to vector<1000x128xf32>
    %add3A = arith.addf %convert_element_type3A, %convert_element_type3A_9 : vector<1000x128xf32>
    %get3A_10 = arith.constant 0 : index
    %get3A_11 = arith.constant 0 : index
    %get3A_12 = vector.load %arg3[%get3A_10, %get3A_11] : memref<128x128xf32, #tpu.memory_space<vmem>>, vector<128x128xf32>
    %dot_general3A = arith.constant dense<0.000000e+00> : vector<1000x128xf32>
    %dot_general3A_13 = tpu.matmul %add3A, %get3A_12, %dot_general3A {dimension_numbers = #tpu.dot_dimension_numbers<[1], [0], [0], [1], [0, 0, 1, 1], [], []>, transpose_lhs_hint = false} : vector<1000x128xf32>, vector<128x128xf32>, vector<1000x128xf32> -> vector<1000x128xf32>
    %get3A_14 = arith.constant 0 : index
    %get3A_15 = arith.constant 0 : index
    %get3A_16 = vector.load %arg4[%get3A_14, %get3A_15] : memref<1x128xf32, #tpu.memory_space<vmem>>, vector<1x128xf32>
    %add3A_17 = vector.broadcast %get3A_16 : vector<1x128xf32> to vector<1000x128xf32>
    %add3A_18 = arith.addf %dot_general3A_13, %add3A_17 : vector<1000x128xf32>
    %logistic3A = arith.negf %add3A_18 : vector<1000x128xf32>
    %logistic3A_19 = math.exp %logistic3A : vector<1000x128xf32>
    %logistic3A_20 = arith.constant 1.000000e+00 : f32
    %logistic3A_21 = vector.broadcast %logistic3A_20 : f32 to vector<1000x128xf32>
    %logistic3A_22 = arith.addf %logistic3A_21, %logistic3A_19 : vector<1000x128xf32>
    %logistic3A_23 = arith.divf %logistic3A_21, %logistic3A_22 : vector<1000x128xf32>
    %mul3A = arith.mulf %add3A_18, %logistic3A_23 : vector<1000x128xf32>
    %get3A_24 = arith.constant 0 : index
    %get3A_25 = arith.constant 0 : index
    %get3A_26 = vector.load %arg1[%get3A_24, %get3A_25] : memref<1000x128xf32, #tpu.memory_space<vmem>>, vector<1000x128xf32>
    %get3A_27 = arith.constant 0 : index
    %get3A_28 = arith.constant 0 : index
    %get3A_29 = vector.load %arg5[%get3A_27, %get3A_28] : memref<128x128xf32, #tpu.memory_space<vmem>>, vector<128x128xf32>
    %dot_general3A_30 = arith.constant dense<0.000000e+00> : vector<1000x128xf32>
    %dot_general3A_31 = tpu.matmul %mul3A, %get3A_29, %dot_general3A_30 {dimension_numbers = #tpu.dot_dimension_numbers<[1], [0], [0], [1], [0, 0, 1, 1], [], []>, transpose_lhs_hint = false} : vector<1000x128xf32>, vector<128x128xf32>, vector<1000x128xf32> -> vector<1000x128xf32>
    %add3A_32 = arith.addf %get3A_26, %dot_general3A_31 : vector<1000x128xf32>
    %get3A_33 = arith.constant 0 : index
    %get3A_34 = arith.constant 0 : index
    %get3A_35 = vector.load %arg6[%get3A_33, %get3A_34] : memref<1x128xf32, #tpu.memory_space<vmem>>, vector<1x128xf32>
    %add3A_36 = vector.broadcast %get3A_35 : vector<1x128xf32> to vector<1000x128xf32>
    %add3A_37 = arith.addf %add3A_32, %add3A_36 : vector<1000x128xf32>
    %swap3A = arith.constant 0 : index
    %swap3A_38 = arith.constant 0 : index
    %swap3A_39 = vector.load %arg7[%swap3A, %swap3A_38] : memref<1000x128xf32, #tpu.memory_space<vmem>>, vector<1000x128xf32>
    tpu.vector_store %arg7[%swap3A, %swap3A_38], %add3A_37 {strides = array<i32>} : memref<1000x128xf32, #tpu.memory_space<vmem>>, vector<1000x128xf32>,
    return
  }
  func.func @transform_0(%arg0: i32) -> (i32, i32) {
    %c0_i32 = arith.constant 0 : i32
    %c0_i32_0 = arith.constant 0 : i32
    return %arg0, %c0_i32 : i32, i32
  }
  func.func @transform_1(%arg0: i32) -> (i32, i32, i32) {
    %c0_i32 = arith.constant 0 : i32
    %c0_i32_0 = arith.constant 0 : i32
    %c0_i32_1 = arith.constant 0 : i32
    return %c0_i32, %arg0, %c0_i32_0 : i32, i32, i32
  }
  func.func @transform_2(%arg0: i32) -> (i32, i32) {
    %c0_i32 = arith.constant 0 : i32
    %c0_i32_0 = arith.constant 0 : i32
    %c0_i32_1 = arith.constant 0 : i32
    return %c0_i32, %c0_i32_0 : i32, i32
  }
  func.func @transform_3(%arg0: i32) -> (i32, i32) {
    %c0_i32 = arith.constant 0 : i32
    %c0_i32_0 = arith.constant 0 : i32
    %c0_i32_1 = arith.constant 0 : i32
    return %c0_i32, %c0_i32_0 : i32, i32
  }
  func.func @transform_4(%arg0: i32) -> (i32, i32) {
    %c0_i32 = arith.constant 0 : i32
    %c0_i32_0 = arith.constant 0 : i32
    %c0_i32_1 = arith.constant 0 : i32
    return %c0_i32, %c0_i32_0 : i32, i32
  }
  func.func @transform_5(%arg0: i32) -> (i32, i32) {
    %c0_i32 = arith.constant 0 : i32
    %c0_i32_0 = arith.constant 0 : i32
    %c0_i32_1 = arith.constant 0 : i32
    return %c0_i32, %c0_i32_0 : i32, i32
  }
  func.func @transform_6(%arg0: i32) -> (i32, i32) {
    %c0_i32 = arith.constant 0 : i32
    %c0_i32_0 = arith.constant 0 : i32
    return %arg0, %c0_i32 : i32, i32
  }
}

</mosaic_0001>

<sc_bundles>
// kernel: kernel.6.cloned.1.call-start
scs
__scs_entry_jumppad:
0x0: {  	(pc) =	sbr.rel $0x88, $3  }
0x1: {  	(tag) =	ssettag $0x0;
	lr =	simm.s32 $0x1  }
0x2: {  	[smem:$0x3F92] =	sst lr;
	_ =	strace $0xD0000000  }
0x3: {  	_ = 	snop  }
0x4: {  	_ = 	snop  }
0x5: {  	_ = 	snop  }
0x6: {  	_ = 	snop  }
0x7: {  	_ = 	snop  }
__scs_overlays_trampoline_lowered:
0x8: {  	[smem:$0x3FA1] =	sst s0  }
0x9: {  	[smem:$0x3FA2] =	sst s1  }
0xa: {  	[smem:$0x3FA3] =	sst s2  }
0xb: {  	[smem:$0x3FA4] =	sst s3  }
0xc: {  	[smem:$0x3FA5] =	sst s4  }
0xd: {  	[smem:$0x3FA6] =	sst s5  }
0xe: {  	[smem:$0x3FA7] =	sst s6  }
0xf: {  	[smem:$0x3FA8] =	sst s7  }
0x10: {  	[smem:$0x3FA9] =	sst s8  }
0x11: {  	[smem:$0x3FAA] =	sst s9;
	s0 =	simm.s32 @!p0 $0x0  }
0x12: {  	s1 =	sld [smem:$0x3F90];
	s0 =	simm.s32 @p0 $0x1  }
0x13: {  	[smem:$0x3FAB] =	sst s0;
	s0 =	simm.s32 @!p1 $0x0  }
0x14: {  	s2 =	sld [smem:$0x3F8F];
	s0 =	simm.s32 @p1 $0x1  }
0x15: {  	[smem:$0x3FAC] =	sst s0;
	s0 =	simm.s32 @!p2 $0x0  }
0x16: {  	s3 =	sld [smem:$0x3FDB];
	s0 =	simm.s32 @p2 $0x1  }
0x17: {  	s4 =	simm.s32 $0x1BF5;
	[smem:$0x3FAE] =	sst s0  }
0x18: {  	s0 =	sld [smem:$0x3F91];
	_ =	swait.ge [sflag:s4], $0x0  }
0x19: {  	s7 =	sld [smem:$0x3F92]  }
0x1a: {  	s8 =	sadd.s32 $0xFFFFE003, lr  }
0x1b: {  	s9 =	sadd.s32 $0xFFFFFEF7, lr;
	s5 =	simm.s32 $0xFFFFFFFF;
	p2 =	slt.u32 s8, $0xFFFFF086  }
0x1c: {  	p1 =	slt.u32 s9, $0xF7A;
	s5 =	simm.s32 @!p2 $0x0  }
0x1d: {  	s5 =	simm.s32 @p1 $0x1;
	p0 =	seq.s32 s7, s2  }
0x1e: {  	s7 =	smul.u32 @!p0 $0xF7A, s2;
	p2 =	seq.s32 @!p0 s5, $0x0  }
0x1f: {  	s9 =	smul.u32 $0xF7A, s1;
	s8 =	simm.s32 @!p0 $0x1BF5;
	p2 =	por !p2, p0  }
0x20: {  	[sflag:s8] =	ssyncset.s32 @!p0 $0xFFFFF086;
	s6 =	sadd.s32 @!p0 s3, s7;
	s7 =	simm.s32 @!p0 $0x108  }
0x21: {  	s3 =	sadd.s32 s3, s9;
	s6 =	sadd.s32 @!p0 $0x88, s6;
	s7 =	simm.s32 @p2 $0x1082  }
0x22: {  	[simem:s7], [sflag:s8] =	dma.local @!p0 [hbm:s6], $0xF7A  }
0x23: {  	s9 =	sor.u32 $0xD0000000, s2;
	s6 =	simm.s32 $0x108;
	_ =	swait.ge @!p0 [sflag:s8], $0x0  }
0x24: {  	s3 =	sadd.s32 $0x88, s3;
	s6 =	simm.s32 @!p1 $0x1082;
	[sflag:s4] =	ssyncset.s32 $0xFFFFF086  }
0x25: {  	[simem:s6], [sflag:s4] =	dma.local [hbm:s3], $0xF7A  }
0x26: {  	[smem:$0x3F92] =	sst s1;
	(tag) =	ssettag s2;
	_ =	strace s9  }
0x27: {  	s1 =	sld [smem:$0x3FA2]  }
0x28: {  	s2 =	sld [smem:$0x3FA3]  }
0x29: {  	s4 =	sld [smem:$0x3FA5]  }
0x2a: {  	p0 =	seq.s32 s5, $0x0;
	s5 =	sld [smem:$0x3FA6]  }
0x2b: {  	s6 =	sld [smem:$0x3FA7]  }
0x2c: {  	s7 =	sld [smem:$0x3FA8]  }
0x2d: {  	s3 =	simm.s32 $0x108;
	s8 =	sld [smem:$0x3FA9]  }
0x2e: {  	s3 =	simm.s32 @!p0 $0x1082;
	s9 =	sld [smem:$0x3FAA]  }
0x2f: {  	lr =	sadd.s32 s0, s3;
	s0 =	sld [smem:$0x3FA1]  }
0x30: {  	s3 =	sld [smem:$0x3FA4]  }
0x31: {  	[smem:$0x3FAD] =	sst s10  }
0x32: {  	s10 =	sld [smem:$0x3FAB];
	_ =	sdelay $0x3  }
0x33: {  	p0 =	seq.s32 s10, $0x1;
	s10 =	sld [smem:$0x3FAD];
	_ =	sdelay $0x3  }
0x34: {  	[smem:$0x3FAD] =	sst s10  }
0x35: {  	s10 =	sld [smem:$0x3FAC];
	_ =	sdelay $0x3  }
0x36: {  	p1 =	seq.s32 s10, $0x1;
	s10 =	sld [smem:$0x3FAD];
	_ =	sdelay $0x3  }
0x37: {  	[smem:$0x3FAD] =	sst s10  }
0x38: {  	s10 =	sld [smem:$0x3FAE]  }
0x39: {  	_ = 	snop;
	(pc) =	sbr.ind lr, $3  }
0x3a: {  	_ = 	snop  }
0x3b: {  	_ = 	snop  }
0x3c: {  	p2 =	seq.s32 s10, $0x1;
	s10 =	sld [smem:$0x3FAD]  }
0x3d: {  	_ =	shalt  }
0x3e: {  	_ =	shalt  }
0x3f: {  	_ =	shalt  }
0x40: {  	_ =	shalt  }
0x41: {  	_ =	shalt  }
0x42: {  	_ =	shalt  }
0x43: {  	_ =	shalt  }
0x44: {  	_ =	shalt  }
0x45: {  	_ =	shalt  }
0x46: {  	_ =	shalt  }
0x47: {  	_ =	shalt  }
0x48: {  	_ =	shalt  }
0x49: {  	_ =	shalt  }
0x4a: {  	_ =	shalt  }
0x4b: {  	_ =	shalt  }
0x4c: {  	_ =	shalt  }
0x4d: {  	_ =	shalt  }
0x4e: {  	_ =	shalt  }
0x4f: {  	_ =	shalt  }
0x50: {  	_ =	shalt  }
0x51: {  	_ =	shalt  }
0x52: {  	_ =	shalt  }
0x53: {  	_ =	shalt  }
0x54: {  	_ =	shalt  }
0x55: {  	_ =	shalt  }
0x56: {  	_ =	shalt  }
0x57: {  	_ =	shalt  }
0x58: {  	_ =	shalt  }
0x59: {  	_ =	shalt  }
0x5a: {  	_ =	shalt  }
0x5b: {  	_ =	shalt  }
0x5c: {  	_ =	shalt  }
0x5d: {  	_ =	shalt  }
0x5e: {  	_ =	shalt  }
0x5f: {  	_ =	shalt  }
0x60: {  	_ =	shalt  }
0x61: {  	_ =	shalt  }
0x62: {  	_ =	shalt  }
0x63: {  	_ =	shalt  }
0x64: {  	_ =	shalt  }
0x65: {  	_ =	shalt  }
0x66: {  	_ =	shalt  }
0x67: {  	_ =	shalt  }
0x68: {  	_ =	shalt  }
0x69: {  	_ =	shalt  }
0x6a: {  	_ =	shalt  }
0x6b: {  	_ =	shalt  }
0x6c: {  	_ =	shalt  }
0x6d: {  	_ =	shalt  }
0x6e: {  	_ =	shalt  }
0x6f: {  	_ =	shalt  }
0x70: {  	_ =	shalt  }
0x71: {  	_ =	shalt  }
0x72: {  	_ =	shalt  }
0x73: {  	_ =	shalt  }
0x74: {  	_ =	shalt  }
0x75: {  	_ =	shalt  }
0x76: {  	_ =	shalt  }
0x77: {  	_ =	shalt  }
0x78: {  	_ =	shalt  }
0x79: {  	_ =	shalt  }
0x7a: {  	_ =	shalt  }
0x7b: {  	_ =	shalt  }
0x7c: {  	_ =	shalt  }
0x7d: {  	_ =	shalt  }
0x7e: {  	_ =	shalt  }
0x7f: {  	_ =	shalt  }
0x80: {  	_ =	shalt  }
0x81: {  	_ =	shalt  }
0x82: {  	_ =	shalt  }
0x83: {  	_ =	shalt  }
0x84: {  	_ =	shalt  }
0x85: {  	_ =	shalt  }
0x86: {  	_ =	shalt  }
0x87: {  	_ =	shalt  }
.Lfunc_end0:
.L_simem_size_0:
called_computation_lowered:
.L_overlay_start_0:
0x88: {  	s2 =	sld [smem:$0x3FD9]  }
0x89: {  	s3 =	sld [smem:$0x3FFE];
	_ =	sdelay $0x1  }
0x8a: {  	s1 =	srdreg.scid  }
0x8b: {  	s0 =	sand.u32 $0x1, s1  }
0x8c: {  	s17 =	sshll.u32 s0, $0xA;
	s2 =	sadd.s32 s3, s2  }
0x8d: {  	s2 =	sadd.s32 s2, s17  }
0x8e: {  	[smem:$0x3FB9] =	sst s2  }
0x8f: {  	_ = 	snop  }
0x90: {  	s2 =	sld [smem:$0x3FD0];
	(tm) =	ssettm $0x1  }
0x91: {  	s18 =	sld [smem:$0x3FFB];
	_ =	sdelay $0x3  }
0x92: {  	_ =	strace s18  }
0x93: {  	s3 =	sld [smem:$0x3FFC];
	_ =	sdelay $0x3  }
0x94: {  	_ =	strace s3  }
0x95: {  	s3 =	sld [smem:$0x3FFD];
	_ =	sdelay $0x3  }
0x96: {  	_ =	strace s3  }
0x97: {  	_ =	strace $0x8FFFFFFF  }
0x98: {  	s19 =	sld [smem:$0x3FDB];
	_ =	sdelay $0x1  }
0x99: {  	s4 =	simm.s32 $_scs_section_size  }
0x9a: {  	s5 =	simm.s32 $_size__tile_overlayer_lowered;
	s6 =	simm.s32 $_tile_overlayer_lowered  }
0x9b: {  	s22 =	simm.s32 $0x1BFF;
	s21 =	sshll.u32 s6, $0x1;
	s3 =	sadd.s32 s4, s19  }
0x9c: {  	s7 =	simm.s32 $0x0;
	s20 =	sshll.u32 s5, $0x1;
	s5 =	sadd.s32 s21, s3  }
0x9d: {  	[timem:s7], [sflag:s22] =	dma.local [hbm:s5], s20  }
0x9e: {  	_ =	swait.ge [sflag:s22], s20  }
0x9f: {  	s4 =	ssub.s32 $0x0, s20;
	[sflag:s22] =	ssyncset.done $0x0  }
0xa0: {  	[sflag:s22] =	ssyncadd.s32 s4;
	_ =	sdelay $0x1  }
0xa1: {  	s23 =	simm.s32 $0x1B8B  }
0xa2: {  	_ =	swait.ge [sflag:s23], $0x1  }
0xa3: {  	[sflag:s23] =	ssyncset.done $0x0  }
0xa4: {  	s25 =	simm.s32 $0x1B8E;
	s24 =	sld [smem:$0x3FFE];
	[sflag:s23] =	ssyncadd.s32 $0xFFFFFFFF  }
0xa5: {  	s26 =	simm.s32 $execute0_lowered;
	[smem:$0x3FD2] =	sst s25  }
0xa6: {  	s5 =	sshll.u32 s26, $0x1;
	_ =	strace $0x80000046;
	[dreg:$0x1] =	wrdreg $0xFFFFFFFF  }
0xa7: {  	s28 =	simm.s32 $_size_execute0_lowered;
	s3 =	sadd.s32 s3, s5;
	[dreg:$0x0] =	wrdreg $0x0  }
0xa8: {  	s5 =	sshll.u32 s28, $0x1;
	[dreg:$0x2] =	wrdreg s3  }
0xa9: {  	[dreg:$0x3] =	wrdreg s5  }
0xaa: {  	[dreg:$0x4] =	wrdreg $0xC0  }
0xab: {  	_ =	task [dreg:s7], $0x5FFFF  }
0xac: {  	[dreg:$0x1] =	wrdreg $0xFFFFFFFF  }
0xad: {  	[dreg:$0x0] =	wrdreg $0x60  }
0xae: {  	[dreg:$0x2] =	wrdreg s2  }
0xaf: {  	[dreg:$0x3] =	wrdreg s24  }
0xb0: {  	[dreg:$0x4] =	wrdreg $0xF0000  }
0xb1: {  	[dreg:$0x5] =	wrdreg $0x9  }
0xb2: {  	_ =	task.clear_ibuf [dreg:s7], $0x6FFFF;
	_ =	strace $0x90000046  }
0xb3: {  	s29 =	simm.s32 $0x9;
	_ =	strace $0x80000048  }
0xb4: {  	_ =	swait.ge [sflag:s29], $0x1  }
0xb5: {  	[sflag:s29] =	ssyncadd.s32 $0xFFFFFFFF  }
0xb6: {  	_ =	strace $0x90000048  }
0xb7: {  	_ =	sfence  }
0xb8: {  	s30 =	sld [smem:$0x0];
	_ =	sdelay $0x2  }
0xb9: {  	s31 =	sshll.u32 s1, $0xD;
	s1 =	sshrl.u32 s1, $0x2  }
0xba: {  	s3 =	sand.u32 $0x4000, s31;
	s1 =	sadd.s32 s1, s30  }
0xbb: {  	s0 =	sor.u32 s3, s0;
	s1 =	sshll.u32 s1, $0x11  }
0xbc: {  	s0 =	sor.u32 s1, s0  }
0xbd: {  	s0 =	sadd.s32 $0x8F2B, s0  }
0xbe: {  	[sflag:s0] =	ssyncadd.remote.s32 $0x1  }
0xbf: {  	_ =	sfence.sel $0xFFFF  }
0xc0: {  	[dreg:$0x0] =	wrdreg $0xFFFFFFFF;
	(pc) =	sbr.abs _section_cstart, $3  }
0xc1: {  	[dreg:$0x1] =	wrdreg $0xFFFFFFFF  }
0xc2: {  	_ =	task.clear_ibuf [dreg:s7], $0x2FFFF;
	_ =	strace $0x9FFFFFFF  }
0xc3: {  	(tm) =	ssettm $0x7FFFFFFF  }
tec
execute0_lowered:
.L_overlay_start_1:
0x0: {  	(tag) =	ssettag $0x1  }
0x1: {  	s1 =	rddreg [dreg:$0x0]  }
0x2: {  	s0 =	srdreg.scid;
	s7 =	rddreg [dreg:$0x1]  }
0x3: {  	s18 =	stileid.u32;
	s3 =	rddreg [dreg:$0x2]  }
0x4: {  	s4 =	simm.s32 $0x0;
	s20 =	simm.s32 $0x80;
	s21 =	simm.s32 $0x9000  }
0x5: {  	s22 =	simm.s32 $0x1;
	s23 =	simm.s32 $0x5000;
	s24 =	simm.s32 $0xD000  }
0x6: {  	s26 =	simm.s32 $0x0;
	s0 =	sand.u32 $0x1, s0;
	s11 =	smul.u32 $0x3E800, s18  }
0x7: {  	[smem:$0x7FF] =	sst s4;
	s5 =	sadd.s32 $0xEE5400, s7;
	s13 =	smul.u32 $0x7D000, s18  }
0x8: {  	p0 =	sgt.u32 s18, $0x4;
	s2 =	sshll.u32 s0, $0x4;
	s8 =	smul.u32 $0x138800, s0  }
0x9: {  	_ =	strace $0x80000047;
	s0 =	ssub.s32 $0x2, s0;
	s2 =	sor.u32 s18, s2  }
0xa: {  	s10 =	sshrl.u32 s0, $0x1;
	s30 =	sshrl.u32 s11, $0x1;
	s31 =	sshrl.u32 s13, $0x2  }
0xb: {  	s6 =	smul.u32 $0x500, s2;
	s8 =	sadd.s32 s11, s8;
	s0 =	ssub.s32 s0, s10  }
0xc: {  	s8 =	sshrl.u32 s8, $0x4;
	s11 =	smax.u32 s0, $0x1;
	s0 =	sadd.s32 s31, s3  }
0xd: {  	s9 =	sadd.s32 s6, s7;
	s6 =	sadd.s32 $0x17600, s7;
	s12 =	sadd.s32 s8, s7  }
0xe: {  	s7 =	smul.u32 $0x50, s2;
	s2 =	sadd.s32 s30, s3;
	s14 =	sadd.s32 $0x6400, s0  }
0xf: {  	s15 =	sadd.s32 $0xC800, s0;
	s16 =	sadd.s32 $0x12C00, s0;
	s17 =	sadd.s32 $0x19000, s0  }
0x10: {  	s13 =	sshrl.u32 @!p0 s0, $0x3;
	s8 =	sadd.s32 $0xD600, s9;
	s9 =	sadd.s32 $0x3600, s9  }
0x11: {  	s10 =	sadd.s32 $0x18400, s12;
	s12 =	sshll.u32 @!p0 s18, $0x6;
	s14 =	sshrl.u32 @!p0 s14, $0x3  }
0x12: {  	s15 =	sshrl.u32 @!p0 s15, $0x3;
	s16 =	sshrl.u32 @!p0 s16, $0x3;
	s17 =	sshrl.u32 @!p0 s17, $0x3  }
0x13: {  	s18 =	simm.s32 $0x2;
	s25 =	sshrl.u32 @!p0 s2, $0x3;
	s12 =	sor.u32 @!p0 $0x1C02, s12  }
.LBB2_1:
0x14: {  	[spmem:s13], [sflag:s12] =	dma.local @!p0 [hbm:s6], $0xC80  }
0x15: {  	s0 =	simm.s32 @!p0 $0x2  }
0x16: {  	_ =	swait.ge @!p0 [sflag:s0], $0xC80  }
0x17: {  	[sflag:s0] =	ssyncset.done @!p0 $0x0  }
0x18: {  	[sflag:s0] =	ssyncadd.s32 @!p0 $0xFFFFF380  }
0x19: {  	[spmem:s14], [sflag:s12] =	dma.local @!p0 [hbm:s6], $0xC80  }
0x1a: {  	_ =	swait.ge @!p0 [sflag:s0], $0xC80  }
0x1b: {  	[sflag:s0] =	ssyncset.done @!p0 $0x0  }
0x1c: {  	[sflag:s0] =	ssyncadd.s32 @!p0 $0xFFFFF380  }
0x1d: {  	[spmem:s15], [sflag:s12] =	dma.local @!p0 [hbm:s6], $0xC80  }
0x1e: {  	_ =	swait.ge @!p0 [sflag:s0], $0xC80  }
0x1f: {  	[sflag:s0] =	ssyncset.done @!p0 $0x0  }
0x20: {  	[sflag:s0] =	ssyncadd.s32 @!p0 $0xFFFFF380  }
0x21: {  	[spmem:s16], [sflag:s12] =	dma.local @!p0 [hbm:s6], $0xC80  }
0x22: {  	_ =	swait.ge @!p0 [sflag:s0], $0xC80  }
0x23: {  	[sflag:s0] =	ssyncset.done @!p0 $0x0  }
0x24: {  	[sflag:s0] =	ssyncadd.s32 @!p0 $0xFFFFF380  }
0x25: {  	[spmem:s17], [sflag:s12] =	dma.local @!p0 [hbm:s6], $0xC80  }
0x26: {  	_ =	swait.ge @!p0 [sflag:s0], $0xC80  }
0x27: {  	[sflag:s0] =	ssyncset.done @!p0 $0x0  }
0x28: {  	[sflag:s0] =	ssyncadd.s32 @!p0 $0xFFFFF380  }
0x29: {  	[tilespmem:s4], [sflag:$0x2] =	stream.linear.gather [hbm4b:s8+s4], $0x2800, $0x38;
	[tilespmem:$0x18C40] =	vst v63  }
0x2a: {  	_ =	swait.ge [sflag:s18], $0x2800  }
0x2b: {  	[sflag:s18] =	ssyncset.done $0x0  }
0x2c: {  	s31 =	simm.s32 $0x2800;
	[sflag:s18] =	ssyncadd.s32 $0xFFFFD800  }
0x2d: {  	[tilespmem:s31], [sflag:$0x2] =	stream.linear.gather [hbm4b:s9+s4], $0x2800, $0x38;
	[tilespmem:$0x18C40] =	vst v63  }
0x2e: {  	_ =	swait.ge [sflag:s18], $0x2800  }
0x2f: {  	[sflag:s18] =	ssyncset.done $0x0  }
0x30: {  	[sflag:s18] =	ssyncadd.s32 $0xFFFFD800  }
0x31: {  	s28 =	simm.s32 $0x0;
	[bflag:$0x0] =	sbarrier.arrive $0xFFFF  }
.LBB2_2:
0x32: {  	s29 =	sshll.u32 s28, $0x7  }
0x33: {  	[tilespmem:s21], [sflag:$0x1] =	stream.indirect.gather [hbm4b:s1+s20], $0x80, s29, s20, $0xb8;
	[tilespmem:$0x18C40] =	vst v63  }
0x34: {  	s0 =	sadd.s32 s7, s28;
	_ =	swait.ge [sflag:s22], $0x4000  }
0x35: {  	s0 =	sshll.u32 s0, $0xB;
	[sflag:s22] =	ssyncset.done $0x0  }
0x36: {  	s2 =	simm.s32 $0x0;
	s0 =	sadd.s32 s5, s0;
	[sflag:s22] =	ssyncadd.s32 $0xFFFFC000  }
0x37: {  	[tilespmem:s23], [sflag:$0x2] =	stream.linear.gather [hbm4b:s0+s2], $0x4000, $0x38;
	[tilespmem:$0x18C40] =	vst v63  }
0x38: {  	_ =	swait.ge [sflag:s18], $0x4000  }
0x39: {  	[sflag:s18] =	ssyncset.done $0x0  }
0x3a: {  	s30 =	simm.s32 $0x0;
	[sflag:s18] =	ssyncadd.s32 $0xFFFFC000  }
0x3b: {  	v0 =	vld [tilespmem:s30+$0x5000]  }
0x3c: {  	v1 =	vld [tilespmem:s30+$0x9000]  }
0x3d: {  	v2 =	vld [tilespmem:s30+$0x5010]  }
0x3e: {  	v3 =	vld [tilespmem:s30+$0x9010];
	_ =	sdelay $0x4  }
0x3f: {  	v0 =	vmul.f32 v0, v1;
	v1 =	vmul.f32 v2, v3;
	_ =	sdelay $0x1  }
0x40: {  	s31 =	simm.s32 $0xD020;
	v0 =	vpack.i.f32.bf16 v1, v0  }
0x41: {  	[tilespmem:s31+$0xFFFFFFE0] =	vst v0  }
0x42: {  	v0 =	vld [tilespmem:s30+$0x5020]  }
0x43: {  	v1 =	vld [tilespmem:s30+$0x9020]  }
0x44: {  	v2 =	vld [tilespmem:s30+$0x5030]  }
0x45: {  	v3 =	vld [tilespmem:s30+$0x9030];
	_ =	sdelay $0x4  }
0x46: {  	v0 =	vmul.f32 v0, v1;
	v1 =	vmul.f32 v2, v3;
	_ =	sdelay $0x1  }
0x47: {  	v0 =	vpack.i.f32.bf16 v1, v0  }
0x48: {  	[tilespmem:s31+$0xFFFFFFF0] =	vst v0  }
0x49: {  	v0 =	vld [tilespmem:s30+$0x9040]  }
0x4a: {  	v1 =	vld [tilespmem:s30+$0x5040]  }
0x4b: {  	v2 =	vld [tilespmem:s30+$0x5050]  }
0x4c: {  	v3 =	vld [tilespmem:s30+$0x9050];
	_ =	sdelay $0x4  }
0x4d: {  	s0 =	simm.s32 $0x200;
	s2 =	simm.s32 $0xD020;
	v0 =	vmul.f32 v1, v0;
	v1 =	vmul.f32 v2, v3  }
.LBB2_3:
0x4e: {  	p1 =	sne.s32 s0, $0xFE00  }
0x4f: {  	s31 =	sadd.s32 $0x40, s31;
	s19 =	smov.u32 s0;
	s0 =	sadd.s32 $0x200, s0  }
0x50: {  	v0 =	vpack.i.f32.bf16 v1, v0  }
0x51: {  	[tilespmem:s2+$0x0] =	vst v0  }
0x52: {  	v0 =	vld [tilespmem:s30+$0x9060]  }
0x53: {  	v1 =	vld [tilespmem:s30+$0x5060]  }
0x54: {  	v2 =	vld [tilespmem:s30+$0x5070]  }
0x55: {  	v3 =	vld [tilespmem:s30+$0x9070];
	_ =	sdelay $0x2  }
0x56: {  	v0 =	vmul.f32 v1, v0;
	_ =	sdelay $0x1  }
0x57: {  	v1 =	vmul.f32 v2, v3  }
0x58: {  	s30 =	sshra.s32 s19, $0x2  }
0x59: {  	v0 =	vpack.i.f32.bf16 v1, v0  }
0x5a: {  	[tilespmem:s2+$0x10] =	vst v0;
	s2 =	smov.u32 s31  }
0x5b: {  	v0 =	vld [tilespmem:s30+$0x5000]  }
0x5c: {  	v1 =	vld [tilespmem:s30+$0x9000]  }
0x5d: {  	v2 =	vld [tilespmem:s30+$0x5010]  }
0x5e: {  	v3 =	vld [tilespmem:s30+$0x9010];
	_ =	sdelay $0x4  }
0x5f: {  	v0 =	vmul.f32 v0, v1;
	v1 =	vmul.f32 v2, v3;
	_ =	sdelay $0x1  }
0x60: {  	v0 =	vpack.i.f32.bf16 v1, v0  }
0x61: {  	[tilespmem:s31+$0xFFFFFFE0] =	vst v0  }
0x62: {  	v0 =	vld [tilespmem:s30+$0x5020]  }
0x63: {  	v1 =	vld [tilespmem:s30+$0x9020]  }
0x64: {  	v2 =	vld [tilespmem:s30+$0x5030]  }
0x65: {  	v3 =	vld [tilespmem:s30+$0x9030];
	_ =	sdelay $0x2  }
0x66: {  	v0 =	vmul.f32 v0, v1;
	_ =	sdelay $0x1  }
0x67: {  	v1 =	vmul.f32 v2, v3;
	_ =	sdelay $0x1  }
0x68: {  	v0 =	vpack.i.f32.bf16 v1, v0  }
0x69: {  	[tilespmem:s31+$0xFFFFFFF0] =	vst v0  }
0x6a: {  	v0 =	vld [tilespmem:s30+$0x9040]  }
0x6b: {  	v1 =	vld [tilespmem:s30+$0x5040]  }
0x6c: {  	v2 =	vld [tilespmem:s30+$0x5050]  }
0x6d: {  	v3 =	vld [tilespmem:s30+$0x9050]  }
.Ltmp0:
0x6e: {  	(pc) =	sbr.rel @p1 .LBB2_3-.Ltmp0, $3  }
0x6f: {  	_ = 	snop  }
0x70: {  	v0 =	vmul.f32 v1, v0;
	_ =	sdelay $0x1  }
0x71: {  	v1 =	vmul.f32 v2, v3  }
0x72: {  	_ = 	snop  }
0x73: {  	v0 =	vpack.i.f32.bf16 v1, v0  }
0x74: {  	[tilespmem:s2+$0x0] =	vst v0  }
0x75: {  	v0 =	vld [tilespmem:s30+$0x9060]  }
0x76: {  	v62 =	vld [tilespmem:s30+$0x5060]  }
0x77: {  	v2 =	vld [tilespmem:s30+$0x5070]  }
0x78: {  	v3 =	vld [tilespmem:s30+$0x9070];
	_ =	sdelay $0x4  }
0x79: {  	v0 =	vmul.f32 v62, v0;
	v63 =	vmul.f32 v2, v3  }
0x7a: {  	s28 =	sadd.s32 $0x1, s28  }
0x7b: {  	p1 =	sne.s32 s28, $0x50;
	v0 =	vpack.i.f32.bf16 v63, v0  }
.Ltmp1:
0x7c: {  	s0 =	sadd.s32 $0x2800, s29;
	[tilespmem:s2+$0x10] =	vst v0;
	(pc) =	sbr.rel @p1 .LBB2_2-.Ltmp1, $4  }
0x7d: {  	[spmem:s3] =	stream.indirect.scatter.add.bf16 [tilespmem:s24], [sflag:$0x2], $0x40, s0, s20, $0xb8;
	[tilespmem:$0x18C40] =	vst v63  }
0x7e: {  	_ =	swait.ge [sflag:s18], $0x2000  }
0x7f: {  	[sflag:s18] =	ssyncset.done $0x0  }
0x80: {  	[sflag:s18] =	ssyncadd.s32 $0xFFFFE000  }
0x81: {  	s26 =	sadd.s32 $0x1, s26  }
0x82: {  	p1 =	sne.s32 s26, s11  }
.Ltmp2:
0x83: {  	[bflag:$0x0] =	sbarrier.arrive $0xFFFF;
	s0 =	simm.s32 @!p0 $0x2;
	(pc) =	sbr.rel @p1 .LBB2_1-.Ltmp2, $4  }
0x84: {  	[hbm:s10], [sflag:s12] =	dma.local @!p0 [spmem:s25], $0x3E80  }
0x85: {  	_ =	swait.ge @!p0 [sflag:s0], $0x3E80  }
0x86: {  	[sflag:s0] =	ssyncset.done @!p0 $0x0  }
0x87: {  	[sflag:s0] =	ssyncadd.s32 @!p0 $0xFFFFC180  }
0x88: {  	_ =	sfence.sel $0x180000  }
0x89: {  	[bflag:$0x0] =	sbarrier.arrive $0xFFFF  }
0x8a: {  	_ =	strace $0x90000047  }
0x8b: {  	s0 =	stileid.u32;
	[bflag:$0x2] =	sbarrier.arrive $0xFFFF  }
0x8c: {  	p0 =	sne.s32 s0, $0x0;
	s0 =	rddreg [dreg:$0x3]  }
0x8d: {  	s0 =	sadd.s32 @!p0 $0x100000, s0  }
0x8e: {  	[sflag:s0] =	ssyncadd.tile.s32 @!p0 $0x1;
	_ =	shalt  }
.Lfunc_end2:
_tile_overlayer_lowered:
.L_overlay_start_2:
0x8f: {  	(tag) =	ssettag $0x2  }
0x90: {  	s0 =	rddreg [dreg:$0x0];
	s2 =	stileid.u32  }
0x91: {  	s1 =	rddreg [dreg:$0x1];
	p0 =	sne.s32 s2, $0x0  }
0x92: {  	s3 =	rddreg [dreg:$0x2];
	[bflag:$0x3] =	sbarrier.arrive $0xFFFF;
	s2 =	simm.s32 @!p0 $0x1C02  }
0x93: {  	[timem:s3], [sflag:s2] =	dma.local @!p0 [hbm:s0], s1  }
0x94: {  	s0 =	simm.s32 @!p0 $0x2  }
0x95: {  	_ =	swait.ge @!p0 [sflag:s0], s1  }
0x96: {  	s1 =	ssub.s32 @!p0 $0x0, s1;
	[sflag:s0] =	ssyncset.done @!p0 $0x0  }
0x97: {  	[sflag:s0] =	ssyncadd.s32 @!p0 s1  }
0x98: {  	[bflag:$0x3] =	sbarrier.arrive $0xFFFF  }
0x99: {  	_ =	shalt  }

</sc_bundles>
